<compile_context>
chip_gen: v7x
topology: tpu7x:2x2x1
jax: 0.10.2.dev20260603
libtpu: 0.0.44.dev20260713+nightly
codegen_flags: <defaults>
</compile_context>

<pallas_src>
import functools

import jax
import jax.numpy as jnp
from jax import lax
from jax.experimental import pallas as pl
from jax.experimental.pallas import tpu as pltpu
from jax.experimental.pallas import tpu_sc as plsc

_N_NODES = 10000
_D = 128
_N_EDGES = 320000
_N_CORES = 2
_N_SUBCORES = 16
_N_WORKERS = _N_CORES * _N_SUBCORES
_E_PER_W = _N_EDGES // _N_WORKERS
_L = 16


def _scores_body(x_ref, wt_ref, hb_ref, out_ref):
    out_ref[...] = (
        lax.dot_general(
            wt_ref[...],
            x_ref[...],
            (((1,), (1,)), ((), ())),
            preferred_element_type=jnp.float32,
        )
        + hb_ref[0, 0]
    )


_scores_call = pl.pallas_call(
    _scores_body,
    out_shape=jax.ShapeDtypeStruct((2, _N_NODES), jnp.float32),
)


_sc_mesh = plsc.VectorSubcoreMesh(core_axis_name="c", subcore_axis_name="s")


@functools.partial(
    pl.kernel,
    out_type=jax.ShapeDtypeStruct((_N_EDGES,), jnp.float32),
    mesh=_sc_mesh,
    compiler_params=pltpu.CompilerParams(needs_layout_passes=False),
    scratch_types=[
        pltpu.VMEM((_N_NODES,), jnp.float32),
        pltpu.VMEM((_N_NODES,), jnp.float32),
        pltpu.VMEM((_E_PER_W,), jnp.int32),
        pltpu.VMEM((_E_PER_W,), jnp.int32),
        pltpu.VMEM((_E_PER_W,), jnp.float32),
    ],
)
def _edge_call(
    scores_hbm, eli_hbm, out_hbm,
    p_t, q_t, src_v, dst_v, out_v,
):
    wid = lax.axis_index("s") * _N_CORES + lax.axis_index("c")
    base = wid * _E_PER_W
    pltpu.sync_copy(scores_hbm.at[pl.ds(0, _N_NODES)], p_t)
    pltpu.sync_copy(scores_hbm.at[pl.ds(_N_NODES, _N_NODES)], q_t)
    pltpu.sync_copy(eli_hbm.at[pl.ds(base, _E_PER_W)], src_v)
    pltpu.sync_copy(eli_hbm.at[pl.ds(_N_EDGES + base, _E_PER_W)], dst_v)

    def body(i, carry):
        off = i * _L
        pv = plsc.load_gather(p_t, [src_v[pl.ds(off, _L)]])
        qv = plsc.load_gather(q_t, [dst_v[pl.ds(off, _L)]])
        out_v[pl.ds(off, _L)] = pv + qv
        return carry

    lax.fori_loop(0, _E_PER_W // _L, body, 0)
    pltpu.sync_copy(out_v, out_hbm.at[pl.ds(base, _E_PER_W)])


def kernel(x, edge_label_index, W, b):
    x = x.astype(jnp.float32)
    eli = edge_label_index.astype(jnp.int32)
    wt = W.reshape(2, _D)
    hb = (b * 0.5).reshape(1, 1).astype(jnp.float32)
    scores = _scores_call(x, wt, hb)
    out = _edge_call(scores.reshape(-1), eli.reshape(-1))
    return out.reshape(_N_EDGES, 1)

# --- scband reference (transcript-rebuilt; emitter-appended) ---
"""Pipeline reference for scband-edge-decoder-11802570129872 (READ-ONLY COPY).

The authoritative reference and input builder live on the scoring server;
editing this copy changes nothing except your own understanding.
"""

import jax, jax.numpy as jnp
import numpy as np

N_NODES = 10000
D = 128
N_EDGES = 320000
OUT_DIM = 1


def setup_inputs(seed: int = 0) -> dict:
    key = jax.random.key(seed)
    k1, k2, k3, k4 = jax.random.split(key, 4)
    x = jax.random.normal(k1, (N_NODES, D), dtype=jnp.float32)
    edge_label_index = jax.random.randint(k2, (2, N_EDGES), 0, N_NODES)
    # nn.Linear(2*hidden_dim, out_dim): weight [out_dim, 2*D], bias [out_dim]
    bound = 1.0 / np.sqrt(2 * D)
    W = jax.random.uniform(k3, (OUT_DIM, 2 * D), dtype=jnp.float32, minval=-bound, maxval=bound)
    b = jax.random.uniform(k4, (OUT_DIM,), dtype=jnp.float32, minval=-bound, maxval=bound)
    return {"x": x, "edge_label_index": edge_label_index, "W": W, "b": b}


def reference(x, edge_label_index, W, b):
    # x_dict has a single node type 'node' since rel_src == rel_dst == 'node'
    h_src = jnp.take(x, edge_label_index[0], axis=0)
    h_dst = jnp.take(x, edge_label_index[1], axis=0)
    concat = jnp.concatenate([h_src, h_dst], axis=1)
    return concat @ W.T + b

if __name__ == "__main__":
    import jax
    _d = setup_inputs()
    print(jax.jit(kernel)(*tuple(_d.values())))

</pallas_src>

<mosaic_0001>
#map = affine_map<(d0, d1) -> (0)>
module attributes {stable_mosaic.version = 14 : i64} {
  func.func @_edge_call(%arg0: i32, %arg1: i32, %arg2: memref<20000xf32, #tpu.memory_space<hbm>>, %arg3: memref<640000xi32, #tpu.memory_space<hbm>>, %arg4: memref<320000xf32, #tpu.memory_space<hbm>>, %arg5: memref<10000xf32, #tpu.memory_space<vmem>>, %arg6: memref<10000xf32, #tpu.memory_space<vmem>>, %arg7: memref<10000xi32, #tpu.memory_space<vmem>>, %arg8: memref<10000xi32, #tpu.memory_space<vmem>>, %arg9: memref<10000xf32, #tpu.memory_space<vmem>>) attributes {dimension_semantics = [#tpu.dimension_semantics<core_parallel>, #tpu.dimension_semantics<subcore_parallel>], iteration_bounds = array<i64: 2, 16>, scalar_prefetch = 0 : i64, scratch_operands = 5 : i64, tpu.core_type = #tpu.core_type<sc_vector_subcore>, window_params = [{transform_indices = #map}, {transform_indices = #map}, {transform_indices = #map}]} {
    %mul3A = arith.constant 2 : i32
    %mul3A_0 = arith.muli %arg1, %mul3A : i32
    %add3A = arith.addi %mul3A_0, %arg0 : i32
    %mul3A_1 = arith.constant 10000 : i32
    %mul3A_2 = arith.muli %add3A, %mul3A_1 : i32
    "tpu.region"() ({
      %run_scoped3A = tpu.sem_alloc : memref<!tpu.dma_semaphore, #tpu.memory_space<semaphore_mem>>
      %dma_start3A = arith.constant 0 : i32
      %dma_start3A_10 = tpu.memref_slice %arg2[%dma_start3A] : memref<20000xf32, #tpu.memory_space<hbm>> -> memref<10000xf32, #tpu.memory_space<hbm>>
      %dma_start3A_11 = arith.constant 0 : i32
      %dma_start3A_12 = tpu.memref_slice %arg2[%dma_start3A_11] : memref<20000xf32, #tpu.memory_space<hbm>> -> memref<10000xf32, #tpu.memory_space<hbm>>
      tpu.enqueue_dma source(%dma_start3A_12 : memref<10000xf32, #tpu.memory_space<hbm>>) target(%arg5 : memref<10000xf32, #tpu.memory_space<vmem>>) target_semaphore(%run_scoped3A : memref<!tpu.dma_semaphore, #tpu.memory_space<semaphore_mem>>)
      %dma_wait3A = arith.constant 0 : i32
      %dma_wait3A_13 = tpu.memref_slice %arg2[%dma_wait3A] : memref<20000xf32, #tpu.memory_space<hbm>> -> memref<10000xf32, #tpu.memory_space<hbm>>
      %dma_wait3A_14 = arith.constant 0 : i32
      %dma_wait3A_15 = tpu.memref_slice %arg2[%dma_wait3A_14] : memref<20000xf32, #tpu.memory_space<hbm>> -> memref<10000xf32, #tpu.memory_space<hbm>>
      tpu.wait_dma2 semaphore(%run_scoped3A : memref<!tpu.dma_semaphore, #tpu.memory_space<semaphore_mem>>) src(%dma_wait3A_15 : memref<10000xf32, #tpu.memory_space<hbm>>) dst(%arg5 : memref<10000xf32, #tpu.memory_space<vmem>>)
      tpu.yield
    }) : () -> ()
    "tpu.region"() ({
      %run_scoped3A = tpu.sem_alloc : memref<!tpu.dma_semaphore, #tpu.memory_space<semaphore_mem>>
      %dma_start3A = arith.constant 10000 : i32
      %dma_start3A_10 = tpu.memref_slice %arg2[%dma_start3A] : memref<20000xf32, #tpu.memory_space<hbm>> -> memref<10000xf32, #tpu.memory_space<hbm>>
      %dma_start3A_11 = arith.constant 10000 : i32
      %dma_start3A_12 = tpu.memref_slice %arg2[%dma_start3A_11] : memref<20000xf32, #tpu.memory_space<hbm>> -> memref<10000xf32, #tpu.memory_space<hbm>>
      tpu.enqueue_dma source(%dma_start3A_12 : memref<10000xf32, #tpu.memory_space<hbm>>) target(%arg6 : memref<10000xf32, #tpu.memory_space<vmem>>) target_semaphore(%run_scoped3A : memref<!tpu.dma_semaphore, #tpu.memory_space<semaphore_mem>>)
      %dma_wait3A = arith.constant 10000 : i32
      %dma_wait3A_13 = tpu.memref_slice %arg2[%dma_wait3A] : memref<20000xf32, #tpu.memory_space<hbm>> -> memref<10000xf32, #tpu.memory_space<hbm>>
      %dma_wait3A_14 = arith.constant 10000 : i32
      %dma_wait3A_15 = tpu.memref_slice %arg2[%dma_wait3A_14] : memref<20000xf32, #tpu.memory_space<hbm>> -> memref<10000xf32, #tpu.memory_space<hbm>>
      tpu.wait_dma2 semaphore(%run_scoped3A : memref<!tpu.dma_semaphore, #tpu.memory_space<semaphore_mem>>) src(%dma_wait3A_15 : memref<10000xf32, #tpu.memory_space<hbm>>) dst(%arg6 : memref<10000xf32, #tpu.memory_space<vmem>>)
      tpu.yield
    }) : () -> ()
    "tpu.region"() ({
      %run_scoped3A = tpu.sem_alloc : memref<!tpu.dma_semaphore, #tpu.memory_space<semaphore_mem>>
      %dma_start3A = tpu.memref_slice %arg3[%mul3A_2] : memref<640000xi32, #tpu.memory_space<hbm>> -> memref<10000xi32, #tpu.memory_space<hbm>>
      %dma_start3A_10 = tpu.memref_slice %arg3[%mul3A_2] : memref<640000xi32, #tpu.memory_space<hbm>> -> memref<10000xi32, #tpu.memory_space<hbm>>
      tpu.enqueue_dma source(%dma_start3A_10 : memref<10000xi32, #tpu.memory_space<hbm>>) target(%arg7 : memref<10000xi32, #tpu.memory_space<vmem>>) target_semaphore(%run_scoped3A : memref<!tpu.dma_semaphore, #tpu.memory_space<semaphore_mem>>)
      %dma_wait3A = tpu.memref_slice %arg3[%mul3A_2] : memref<640000xi32, #tpu.memory_space<hbm>> -> memref<10000xi32, #tpu.memory_space<hbm>>
      %dma_wait3A_11 = tpu.memref_slice %arg3[%mul3A_2] : memref<640000xi32, #tpu.memory_space<hbm>> -> memref<10000xi32, #tpu.memory_space<hbm>>
      tpu.wait_dma2 semaphore(%run_scoped3A : memref<!tpu.dma_semaphore, #tpu.memory_space<semaphore_mem>>) src(%dma_wait3A_11 : memref<10000xi32, #tpu.memory_space<hbm>>) dst(%arg7 : memref<10000xi32, #tpu.memory_space<vmem>>)
      tpu.yield
    }) : () -> ()
    %add3A_3 = arith.constant 320000 : i32
    %add3A_4 = arith.addi %add3A_3, %mul3A_2 : i32
    "tpu.region"() ({
      %run_scoped3A = tpu.sem_alloc : memref<!tpu.dma_semaphore, #tpu.memory_space<semaphore_mem>>
      %dma_start3A = tpu.memref_slice %arg3[%add3A_4] : memref<640000xi32, #tpu.memory_space<hbm>> -> memref<10000xi32, #tpu.memory_space<hbm>>
      %dma_start3A_10 = tpu.memref_slice %arg3[%add3A_4] : memref<640000xi32, #tpu.memory_space<hbm>> -> memref<10000xi32, #tpu.memory_space<hbm>>
      tpu.enqueue_dma source(%dma_start3A_10 : memref<10000xi32, #tpu.memory_space<hbm>>) target(%arg8 : memref<10000xi32, #tpu.memory_space<vmem>>) target_semaphore(%run_scoped3A : memref<!tpu.dma_semaphore, #tpu.memory_space<semaphore_mem>>)
      %dma_wait3A = tpu.memref_slice %arg3[%add3A_4] : memref<640000xi32, #tpu.memory_space<hbm>> -> memref<10000xi32, #tpu.memory_space<hbm>>
      %dma_wait3A_11 = tpu.memref_slice %arg3[%add3A_4] : memref<640000xi32, #tpu.memory_space<hbm>> -> memref<10000xi32, #tpu.memory_space<hbm>>
      tpu.wait_dma2 semaphore(%run_scoped3A : memref<!tpu.dma_semaphore, #tpu.memory_space<semaphore_mem>>) src(%dma_wait3A_11 : memref<10000xi32, #tpu.memory_space<hbm>>) dst(%arg8 : memref<10000xi32, #tpu.memory_space<vmem>>)
      tpu.yield
    }) : () -> ()
    %scan3A = arith.constant 0 : i32
    %scan3A_5 = arith.constant 0 : i32
    %scan3A_6 = arith.constant 625 : i32
    %scan3A_7 = arith.addi %scan3A_5, %scan3A_6 : i32
    %scan3A_8 = arith.constant 1 : i32
    scf.for %scan3A_10 = %scan3A_5 to %scan3A_7 step %scan3A_8  : i32 {
      %mul3A_11 = arith.constant 16 : i32
      %mul3A_12 = arith.muli %scan3A_10, %mul3A_11 : i32
      %get3A = arith.index_cast %mul3A_12 : i32 to index
      %get3A_13 = tpu.vector_load %arg7[%get3A] {strides = array<i32>} : memref<10000xi32, #tpu.memory_space<vmem>>, vector<16xi32>,
      %gather3A = tpu.vector_load_idx %arg5[%get3A_13] : memref<10000xf32, #tpu.memory_space<vmem>>[vector<16xi32>], vector<16xf32>,
      %get3A_14 = arith.index_cast %mul3A_12 : i32 to index
      %get3A_15 = tpu.vector_load %arg8[%get3A_14] {strides = array<i32>} : memref<10000xi32, #tpu.memory_space<vmem>>, vector<16xi32>,
      %gather3A_16 = tpu.vector_load_idx %arg6[%get3A_15] : memref<10000xf32, #tpu.memory_space<vmem>>[vector<16xi32>], vector<16xf32>,
      %add3A_17 = arith.addf %gather3A, %gather3A_16 : vector<16xf32>
      %swap3A = arith.index_cast %mul3A_12 : i32 to index
      %swap3A_18 = tpu.vector_load %arg9[%swap3A] {strides = array<i32>} : memref<10000xf32, #tpu.memory_space<vmem>>, vector<16xf32>,
      tpu.vector_store %arg9[%swap3A], %add3A_17 {strides = array<i32>} : memref<10000xf32, #tpu.memory_space<vmem>>, vector<16xf32>,
    }
    %scan3A_9 = arith.constant 625 : i32
    "tpu.region"() ({
      %run_scoped3A = tpu.sem_alloc : memref<!tpu.dma_semaphore, #tpu.memory_space<semaphore_mem>>
      %dma_start3A = tpu.memref_slice %arg4[%mul3A_2] : memref<320000xf32, #tpu.memory_space<hbm>> -> memref<10000xf32, #tpu.memory_space<hbm>>
      %dma_start3A_10 = tpu.memref_slice %arg4[%mul3A_2] : memref<320000xf32, #tpu.memory_space<hbm>> -> memref<10000xf32, #tpu.memory_space<hbm>>
      tpu.enqueue_dma source(%arg9 : memref<10000xf32, #tpu.memory_space<vmem>>) target(%dma_start3A_10 : memref<10000xf32, #tpu.memory_space<hbm>>) target_semaphore(%run_scoped3A : memref<!tpu.dma_semaphore, #tpu.memory_space<semaphore_mem>>)
      %dma_wait3A = tpu.memref_slice %arg4[%mul3A_2] : memref<320000xf32, #tpu.memory_space<hbm>> -> memref<10000xf32, #tpu.memory_space<hbm>>
      %dma_wait3A_11 = tpu.memref_slice %arg4[%mul3A_2] : memref<320000xf32, #tpu.memory_space<hbm>> -> memref<10000xf32, #tpu.memory_space<hbm>>
      tpu.wait_dma2 semaphore(%run_scoped3A : memref<!tpu.dma_semaphore, #tpu.memory_space<semaphore_mem>>) src(%arg9 : memref<10000xf32, #tpu.memory_space<vmem>>) dst(%dma_wait3A_11 : memref<10000xf32, #tpu.memory_space<hbm>>)
      tpu.yield
    }) : () -> ()
    return
  }
}

module attributes {stable_mosaic.version = 14 : i64} {
  func.func @_scores_body(%arg0: memref<10000x128xf32, #tpu.memory_space<vmem>>, %arg1: memref<2x128xf32, #tpu.memory_space<vmem>>, %arg2: memref<1x1xf32, #tpu.memory_space<vmem>>, %arg3: memref<2x10000xf32, #tpu.memory_space<vmem>>) attributes {dimension_semantics = [], scalar_prefetch = 0 : i64, scratch_operands = 0 : i64, tpu.core_type = #tpu.core_type<tc>} {
    %get3A = arith.constant 0 : index
    %get3A_0 = arith.constant 0 : index
    %get3A_1 = vector.load %arg1[%get3A, %get3A_0] : memref<2x128xf32, #tpu.memory_space<vmem>>, vector<2x128xf32>
    %get3A_2 = arith.constant 0 : index
    %get3A_3 = arith.constant 0 : index
    %get3A_4 = vector.load %arg0[%get3A_2, %get3A_3] : memref<10000x128xf32, #tpu.memory_space<vmem>>, vector<10000x128xf32>
    %dot_general3A = arith.constant dense<0.000000e+00> : vector<2x10000xf32>
    %dot_general3A_5 = tpu.matmul %get3A_1, %get3A_4, %dot_general3A {dimension_numbers = #tpu.dot_dimension_numbers<[1], [1], [0], [0], [0, 0, 1, 0], [], []>, transpose_lhs_hint = false} : vector<2x128xf32>, vector<10000x128xf32>, vector<2x10000xf32> -> vector<2x10000xf32>
    %get3A_6 = arith.constant 0 : index
    %get3A_7 = arith.constant 0 : index
    %get3A_8 = vector.load %arg2[%get3A_6, %get3A_7] : memref<1x1xf32, #tpu.memory_space<vmem>>, vector<1x1xf32>
    %get3A_9 = vector.extract %get3A_8[0, 0] : f32 from vector<1x1xf32>
    %add3A = vector.broadcast %get3A_9 : f32 to vector<2x10000xf32>
    %add3A_10 = arith.addf %dot_general3A_5, %add3A : vector<2x10000xf32>
    %swap3A = arith.constant 0 : index
    %swap3A_11 = arith.constant 0 : index
    %swap3A_12 = vector.load %arg3[%swap3A, %swap3A_11] : memref<2x10000xf32, #tpu.memory_space<vmem>>, vector<2x10000xf32>
    tpu.vector_store %arg3[%swap3A, %swap3A_11], %add3A_10 {strides = array<i32>} : memref<2x10000xf32, #tpu.memory_space<vmem>>, vector<2x10000xf32>,
    return
  }
}

</mosaic_0001>

<sc_bundles>
// kernel: kernel.4.cloned.1.call-start
scs
__scs_entry_jumppad:
0x0: {  	(pc) =	sbr.rel $0x88, $3  }
0x1: {  	(tag) =	ssettag $0x0;
	lr =	simm.s32 $0x1  }
0x2: {  	[smem:$0x3F9D] =	sst lr;
	_ =	strace $0xD0000000  }
0x3: {  	_ = 	snop  }
0x4: {  	_ = 	snop  }
0x5: {  	_ = 	snop  }
0x6: {  	_ = 	snop  }
0x7: {  	_ = 	snop  }
__scs_overlays_trampoline_lowered:
0x8: {  	[smem:$0x3FAC] =	sst s0  }
0x9: {  	[smem:$0x3FAD] =	sst s1  }
0xa: {  	[smem:$0x3FAE] =	sst s2  }
0xb: {  	[smem:$0x3FAF] =	sst s3  }
0xc: {  	[smem:$0x3FB0] =	sst s4  }
0xd: {  	[smem:$0x3FB1] =	sst s5  }
0xe: {  	[smem:$0x3FB2] =	sst s6  }
0xf: {  	[smem:$0x3FB3] =	sst s7  }
0x10: {  	[smem:$0x3FB4] =	sst s8  }
0x11: {  	[smem:$0x3FB5] =	sst s9;
	s0 =	simm.s32 @!p0 $0x0  }
0x12: {  	s1 =	sld [smem:$0x3F9B];
	s0 =	simm.s32 @p0 $0x1  }
0x13: {  	[smem:$0x3FB6] =	sst s0;
	s0 =	simm.s32 @!p1 $0x0  }
0x14: {  	s2 =	sld [smem:$0x3F9A];
	s0 =	simm.s32 @p1 $0x1  }
0x15: {  	[smem:$0x3FB7] =	sst s0;
	s0 =	simm.s32 @!p2 $0x0  }
0x16: {  	s3 =	sld [smem:$0x3FDB];
	s0 =	simm.s32 @p2 $0x1  }
0x17: {  	s4 =	simm.s32 $0x1BF5;
	[smem:$0x3FB9] =	sst s0  }
0x18: {  	s0 =	sld [smem:$0x3F9C];
	_ =	swait.ge [sflag:s4], $0x0  }
0x19: {  	s7 =	sld [smem:$0x3F9D]  }
0x1a: {  	s8 =	sadd.s32 $0xFFFFE003, lr  }
0x1b: {  	s9 =	sadd.s32 $0xFFFFFEF7, lr;
	s5 =	simm.s32 $0xFFFFFFFF;
	p2 =	slt.u32 s8, $0xFFFFF086  }
0x1c: {  	p1 =	slt.u32 s9, $0xF7A;
	s5 =	simm.s32 @!p2 $0x0  }
0x1d: {  	s5 =	simm.s32 @p1 $0x1;
	p0 =	seq.s32 s7, s2  }
0x1e: {  	s7 =	smul.u32 @!p0 $0xF7A, s2;
	p2 =	seq.s32 @!p0 s5, $0x0  }
0x1f: {  	s9 =	smul.u32 $0xF7A, s1;
	s8 =	simm.s32 @!p0 $0x1BF5;
	p2 =	por !p2, p0  }
0x20: {  	[sflag:s8] =	ssyncset.s32 @!p0 $0xFFFFF086;
	s6 =	sadd.s32 @!p0 s3, s7;
	s7 =	simm.s32 @!p0 $0x108  }
0x21: {  	s3 =	sadd.s32 s3, s9;
	s6 =	sadd.s32 @!p0 $0x88, s6;
	s7 =	simm.s32 @p2 $0x1082  }
0x22: {  	[simem:s7], [sflag:s8] =	dma.local @!p0 [hbm:s6], $0xF7A  }
0x23: {  	s9 =	sor.u32 $0xD0000000, s2;
	s6 =	simm.s32 $0x108;
	_ =	swait.ge @!p0 [sflag:s8], $0x0  }
0x24: {  	s3 =	sadd.s32 $0x88, s3;
	s6 =	simm.s32 @!p1 $0x1082;
	[sflag:s4] =	ssyncset.s32 $0xFFFFF086  }
0x25: {  	[simem:s6], [sflag:s4] =	dma.local [hbm:s3], $0xF7A  }
0x26: {  	[smem:$0x3F9D] =	sst s1;
	(tag) =	ssettag s2;
	_ =	strace s9  }
0x27: {  	s1 =	sld [smem:$0x3FAD]  }
0x28: {  	s2 =	sld [smem:$0x3FAE]  }
0x29: {  	s4 =	sld [smem:$0x3FB0]  }
0x2a: {  	p0 =	seq.s32 s5, $0x0;
	s5 =	sld [smem:$0x3FB1]  }
0x2b: {  	s6 =	sld [smem:$0x3FB2]  }
0x2c: {  	s7 =	sld [smem:$0x3FB3]  }
0x2d: {  	s3 =	simm.s32 $0x108;
	s8 =	sld [smem:$0x3FB4]  }
0x2e: {  	s3 =	simm.s32 @!p0 $0x1082;
	s9 =	sld [smem:$0x3FB5]  }
0x2f: {  	lr =	sadd.s32 s0, s3;
	s0 =	sld [smem:$0x3FAC]  }
0x30: {  	s3 =	sld [smem:$0x3FAF]  }
0x31: {  	[smem:$0x3FB8] =	sst s10  }
0x32: {  	s10 =	sld [smem:$0x3FB6];
	_ =	sdelay $0x3  }
0x33: {  	p0 =	seq.s32 s10, $0x1;
	s10 =	sld [smem:$0x3FB8];
	_ =	sdelay $0x3  }
0x34: {  	[smem:$0x3FB8] =	sst s10  }
0x35: {  	s10 =	sld [smem:$0x3FB7];
	_ =	sdelay $0x3  }
0x36: {  	p1 =	seq.s32 s10, $0x1;
	s10 =	sld [smem:$0x3FB8];
	_ =	sdelay $0x3  }
0x37: {  	[smem:$0x3FB8] =	sst s10  }
0x38: {  	s10 =	sld [smem:$0x3FB9]  }
0x39: {  	_ = 	snop;
	(pc) =	sbr.ind lr, $3  }
0x3a: {  	_ = 	snop  }
0x3b: {  	_ = 	snop  }
0x3c: {  	p2 =	seq.s32 s10, $0x1;
	s10 =	sld [smem:$0x3FB8]  }
0x3d: {  	_ =	shalt  }
0x3e: {  	_ =	shalt  }
0x3f: {  	_ =	shalt  }
0x40: {  	_ =	shalt  }
0x41: {  	_ =	shalt  }
0x42: {  	_ =	shalt  }
0x43: {  	_ =	shalt  }
0x44: {  	_ =	shalt  }
0x45: {  	_ =	shalt  }
0x46: {  	_ =	shalt  }
0x47: {  	_ =	shalt  }
0x48: {  	_ =	shalt  }
0x49: {  	_ =	shalt  }
0x4a: {  	_ =	shalt  }
0x4b: {  	_ =	shalt  }
0x4c: {  	_ =	shalt  }
0x4d: {  	_ =	shalt  }
0x4e: {  	_ =	shalt  }
0x4f: {  	_ =	shalt  }
0x50: {  	_ =	shalt  }
0x51: {  	_ =	shalt  }
0x52: {  	_ =	shalt  }
0x53: {  	_ =	shalt  }
0x54: {  	_ =	shalt  }
0x55: {  	_ =	shalt  }
0x56: {  	_ =	shalt  }
0x57: {  	_ =	shalt  }
0x58: {  	_ =	shalt  }
0x59: {  	_ =	shalt  }
0x5a: {  	_ =	shalt  }
0x5b: {  	_ =	shalt  }
0x5c: {  	_ =	shalt  }
0x5d: {  	_ =	shalt  }
0x5e: {  	_ =	shalt  }
0x5f: {  	_ =	shalt  }
0x60: {  	_ =	shalt  }
0x61: {  	_ =	shalt  }
0x62: {  	_ =	shalt  }
0x63: {  	_ =	shalt  }
0x64: {  	_ =	shalt  }
0x65: {  	_ =	shalt  }
0x66: {  	_ =	shalt  }
0x67: {  	_ =	shalt  }
0x68: {  	_ =	shalt  }
0x69: {  	_ =	shalt  }
0x6a: {  	_ =	shalt  }
0x6b: {  	_ =	shalt  }
0x6c: {  	_ =	shalt  }
0x6d: {  	_ =	shalt  }
0x6e: {  	_ =	shalt  }
0x6f: {  	_ =	shalt  }
0x70: {  	_ =	shalt  }
0x71: {  	_ =	shalt  }
0x72: {  	_ =	shalt  }
0x73: {  	_ =	shalt  }
0x74: {  	_ =	shalt  }
0x75: {  	_ =	shalt  }
0x76: {  	_ =	shalt  }
0x77: {  	_ =	shalt  }
0x78: {  	_ =	shalt  }
0x79: {  	_ =	shalt  }
0x7a: {  	_ =	shalt  }
0x7b: {  	_ =	shalt  }
0x7c: {  	_ =	shalt  }
0x7d: {  	_ =	shalt  }
0x7e: {  	_ =	shalt  }
0x7f: {  	_ =	shalt  }
0x80: {  	_ =	shalt  }
0x81: {  	_ =	shalt  }
0x82: {  	_ =	shalt  }
0x83: {  	_ =	shalt  }
0x84: {  	_ =	shalt  }
0x85: {  	_ =	shalt  }
0x86: {  	_ =	shalt  }
0x87: {  	_ =	shalt  }
.Lfunc_end0:
.L_simem_size_0:
called_computation_lowered:
.L_overlay_start_0:
0x88: {  	s2 =	sld [smem:$0x3FD9]  }
0x89: {  	s3 =	sld [smem:$0x3FFE];
	_ =	sdelay $0x1  }
0x8a: {  	s1 =	srdreg.scid  }
0x8b: {  	s0 =	sand.u32 $0x1, s1  }
0x8c: {  	s17 =	sshll.u32 s0, $0xA;
	s2 =	sadd.s32 s3, s2  }
0x8d: {  	s2 =	sadd.s32 s2, s17  }
0x8e: {  	[smem:$0x3FC4] =	sst s2  }
0x8f: {  	_ = 	snop  }
0x90: {  	s2 =	sld [smem:$0x3FD0];
	(tm) =	ssettm $0x1  }
0x91: {  	s18 =	sld [smem:$0x3FFB];
	_ =	sdelay $0x3  }
0x92: {  	_ =	strace s18  }
0x93: {  	s3 =	sld [smem:$0x3FFC];
	_ =	sdelay $0x3  }
0x94: {  	_ =	strace s3  }
0x95: {  	s3 =	sld [smem:$0x3FFD];
	_ =	sdelay $0x3  }
0x96: {  	_ =	strace s3  }
0x97: {  	_ =	strace $0x8FFFFFFF  }
0x98: {  	s19 =	sld [smem:$0x3FDB];
	_ =	sdelay $0x1  }
0x99: {  	s4 =	simm.s32 $_scs_section_size  }
0x9a: {  	s5 =	simm.s32 $_size__tile_overlayer_lowered;
	s6 =	simm.s32 $_tile_overlayer_lowered  }
0x9b: {  	s22 =	simm.s32 $0x1BFF;
	s21 =	sshll.u32 s6, $0x1;
	s3 =	sadd.s32 s4, s19  }
0x9c: {  	s7 =	simm.s32 $0x0;
	s20 =	sshll.u32 s5, $0x1;
	s5 =	sadd.s32 s21, s3  }
0x9d: {  	[timem:s7], [sflag:s22] =	dma.local [hbm:s5], s20  }
0x9e: {  	_ =	swait.ge [sflag:s22], s20  }
0x9f: {  	s4 =	ssub.s32 $0x0, s20;
	[sflag:s22] =	ssyncset.done $0x0  }
0xa0: {  	[sflag:s22] =	ssyncadd.s32 s4;
	_ =	sdelay $0x1  }
0xa1: {  	s23 =	simm.s32 $0x1B8B  }
0xa2: {  	_ =	swait.ge [sflag:s23], $0x1  }
0xa3: {  	[sflag:s23] =	ssyncset.done $0x0  }
0xa4: {  	s25 =	simm.s32 $0x1B8E;
	s24 =	sld [smem:$0x3FFE];
	[sflag:s23] =	ssyncadd.s32 $0xFFFFFFFF  }
0xa5: {  	s26 =	simm.s32 $execute0_lowered;
	[smem:$0x3FD2] =	sst s25  }
0xa6: {  	s5 =	sshll.u32 s26, $0x1;
	_ =	strace $0x80000046;
	[dreg:$0x1] =	wrdreg $0xFFFFFFFF  }
0xa7: {  	s28 =	simm.s32 $_size_execute0_lowered;
	s3 =	sadd.s32 s3, s5;
	[dreg:$0x0] =	wrdreg $0x0  }
0xa8: {  	s5 =	sshll.u32 s28, $0x1;
	[dreg:$0x2] =	wrdreg s3  }
0xa9: {  	[dreg:$0x3] =	wrdreg s5  }
0xaa: {  	[dreg:$0x4] =	wrdreg $0xC0  }
0xab: {  	_ =	task [dreg:s7], $0x5FFFF  }
0xac: {  	[dreg:$0x1] =	wrdreg $0xFFFFFFFF  }
0xad: {  	[dreg:$0x0] =	wrdreg $0x60  }
0xae: {  	[dreg:$0x2] =	wrdreg s2  }
0xaf: {  	[dreg:$0x3] =	wrdreg s24  }
0xb0: {  	[dreg:$0x4] =	wrdreg $0x9  }
0xb1: {  	_ =	task.clear_ibuf [dreg:s7], $0x5FFFF;
	_ =	strace $0x90000046  }
0xb2: {  	s29 =	simm.s32 $0x9;
	_ =	strace $0x80000048  }
0xb3: {  	_ =	swait.ge [sflag:s29], $0x1  }
0xb4: {  	[sflag:s29] =	ssyncadd.s32 $0xFFFFFFFF  }
0xb5: {  	_ =	strace $0x90000048  }
0xb6: {  	_ =	sfence  }
0xb7: {  	s30 =	sld [smem:$0x0];
	_ =	sdelay $0x2  }
0xb8: {  	s31 =	sshll.u32 s1, $0xD;
	s1 =	sshrl.u32 s1, $0x2  }
0xb9: {  	s3 =	sand.u32 $0x4000, s31;
	s1 =	sadd.s32 s1, s30  }
0xba: {  	s0 =	sor.u32 s3, s0;
	s1 =	sshll.u32 s1, $0x11  }
0xbb: {  	s0 =	sor.u32 s1, s0  }
0xbc: {  	s0 =	sadd.s32 $0x8F2B, s0  }
0xbd: {  	[sflag:s0] =	ssyncadd.remote.s32 $0x1  }
0xbe: {  	_ =	sfence.sel $0xFFFF  }
0xbf: {  	[dreg:$0x0] =	wrdreg $0xFFFFFFFF;
	(pc) =	sbr.abs _section_cstart, $3  }
0xc0: {  	[dreg:$0x1] =	wrdreg $0xFFFFFFFF  }
0xc1: {  	_ =	task.clear_ibuf [dreg:s7], $0x2FFFF;
	_ =	strace $0x9FFFFFFF  }
0xc2: {  	(tm) =	ssettm $0x7FFFFFFF  }
0xc3: {  	_ =	shalt  }
tec
execute0_lowered:
.L_overlay_start_1:
0x0: {  	(tag) =	ssettag $0x1  }
0x1: {  	s1 =	srdreg.scid;
	s2 =	rddreg [dreg:$0x0]  }
0x2: {  	s0 =	stileid.u32;
	s5 =	rddreg [dreg:$0x1]  }
0x3: {  	s3 =	simm.s32 $0x0;
	s9 =	simm.s32 $0x1;
	s10 =	simm.s32 $0x2780  }
0x4: {  	s11 =	simm.s32 $0x4F00;
	s4 =	sand.u32 $0x1, s1;
	s30 =	sshll.u32 s0, $0x1  }
0x5: {  	s12 =	simm.s32 $0x7680;
	s13 =	simm.s32 $0x9E00;
	s1 =	sor.u32 s4, s30  }
0x6: {  	[smem:$0x7FF] =	sst s3;
	s4 =	ssub.s32 $0x2, s4;
	s6 =	smul.u32 $0x2710, s1  }
0x7: {  	s14 =	simm.s32 $0x0;
	s1 =	rddreg [dreg:$0x2];
	s31 =	sshrl.u32 s4, $0x1  }
0x8: {  	_ =	strace $0x80000047;
	s8 =	ssub.s32 s4, s31;
	s6 =	sshrl.u32 s6, $0x3  }
0x9: {  	s4 =	sadd.s32 $0x4E2, s2;
	s8 =	smax.u32 s8, $0x1;
	s7 =	sadd.s32 s6, s5  }
0xa: {  	s5 =	sadd.s32 $0xA00, s7;
	s6 =	sadd.s32 $0xA640, s7;
	s7 =	sadd.s32 $0x14400, s7  }
.LBB2_1:
0xb: {  	[tilespmem:s3], [sflag:$0x1] =	stream.linear.gather [hbm4b:s2+s3], $0x2710, $0x38;
	[tilespmem:$0xC580] =	vst v63  }
0xc: {  	_ =	swait.ge [sflag:s9], $0x2710  }
0xd: {  	[sflag:s9] =	ssyncset.done $0x0  }
0xe: {  	[sflag:s9] =	ssyncadd.s32 $0xFFFFD8F0  }
0xf: {  	[tilespmem:s10], [sflag:$0x1] =	stream.linear.gather [hbm4b:s4+s3], $0x2710, $0x38;
	[tilespmem:$0xC580] =	vst v63  }
0x10: {  	_ =	swait.ge [sflag:s9], $0x2710  }
0x11: {  	[sflag:s9] =	ssyncset.done $0x0  }
0x12: {  	[sflag:s9] =	ssyncadd.s32 $0xFFFFD8F0  }
0x13: {  	[tilespmem:s11], [sflag:$0x1] =	stream.linear.gather [hbm4b:s5+s3], $0x2710, $0x38;
	[tilespmem:$0xC580] =	vst v63  }
0x14: {  	_ =	swait.ge [sflag:s9], $0x2710  }
0x15: {  	[sflag:s9] =	ssyncset.done $0x0  }
0x16: {  	[sflag:s9] =	ssyncadd.s32 $0xFFFFD8F0  }
0x17: {  	[tilespmem:s12], [sflag:$0x1] =	stream.linear.gather [hbm4b:s6+s3], $0x2710, $0x38;
	[tilespmem:$0xC580] =	vst v63  }
0x18: {  	_ =	swait.ge [sflag:s9], $0x2710  }
0x19: {  	[sflag:s9] =	ssyncset.done $0x0  }
0x1a: {  	s15 =	simm.s32 $0x0;
	[sflag:s9] =	ssyncadd.s32 $0xFFFFD8F0  }
0x1b: {  	v0 =	vld [tilespmem:s15+$0x7680]  }
0x1c: {  	v1 =	vld [tilespmem:s15+$0x4F00];
	_ =	sdelay $0x6  }
0x1d: {  	v0 =	vld.idx.msk [tilespmem:v0+s10+$0x0], $0xffff  }
0x1e: {  	s16 =	simm.s32 $0x10;
	v2 =	vld.idx.msk [tilespmem:v1+s3+$0x0], $0xffff  }
0x1f: {  	s17 =	simm.s32 $0x80;
	v1 =	vld [tilespmem:s16+$0x7680]  }
.LBB2_2:
0x20: {  	p0 =	sne.s32 s17, $0x9C00;
	v3 =	vld [tilespmem:s16+$0x4F00];
	_ =	sdelay $0x3  }
0x21: {  	v0 =	vadd.f32 v0, v2  }
.Ltmp0:
0x22: {  	(pc) =	sbr.rel @p0 .LBB2_2-.Ltmp0, $4  }
0x23: {  	[tilespmem:s15+$0x9E00] =	vst v0;
	s15 =	smov.u32 s16  }
0x24: {  	v0 =	vld.idx.msk [tilespmem:v1+s10+$0x0], $0xffff  }
0x25: {  	s16 =	sshra.s32 s17, $0x2;
	v2 =	vld.idx.msk [tilespmem:v3+s3+$0x0], $0xffff  }
0x26: {  	s17 =	sadd.s32 $0x40, s17;
	v1 =	vld [tilespmem:s16+$0x7680]  }
0x27: {  	_ = 	snop  }
0x28: {  	v3 =	vld [tilespmem:s16+$0x4F00];
	_ =	sdelay $0x3  }
0x29: {  	v0 =	vadd.f32 v0, v2;
	_ =	sdelay $0x1  }
0x2a: {  	[tilespmem:s15+$0x9E00] =	vst v0  }
0x2b: {  	v0 =	vld.idx.msk [tilespmem:v1+s10+$0x0], $0xffff  }
0x2c: {  	v63 =	vld.idx.msk [tilespmem:v3+s3+$0x0], $0xffff;
	_ =	sdelay $0x4  }
0x2d: {  	s14 =	sadd.s32 $0x1, s14;
	v0 =	vadd.f32 v0, v63  }
0x2e: {  	p0 =	sne.s32 s14, s8  }
.Ltmp1:
0x2f: {  	[tilespmem:s16+$0x9E00] =	vst v0;
	(pc) =	sbr.rel @p0 .LBB2_1-.Ltmp1, $4  }
0x30: {  	[hbm4b:s7+s3] =	stream.linear.scatter [tilespmem:s13], [sflag:$0x1], $0x2710, $0x38;
	[tilespmem:$0xC580] =	vst v63  }
0x31: {  	_ =	swait.ge [sflag:s9], $0x2710  }
0x32: {  	[sflag:s9] =	ssyncset.done $0x0  }
0x33: {  	[sflag:s9] =	ssyncadd.s32 $0xFFFFD8F0  }
0x34: {  	_ =	sfence.sel $0x180000  }
0x35: {  	[bflag:$0x0] =	sbarrier.arrive $0xFFFF  }
0x36: {  	p0 =	sne.s32 s0, $0x0;
	_ =	strace $0x90000047  }
0x37: {  	s0 =	sadd.s32 @!p0 $0x100000, s1;
	[bflag:$0x2] =	sbarrier.arrive $0xFFFF  }
0x38: {  	[sflag:s0] =	ssyncadd.tile.s32 @!p0 $0x1;
	_ =	shalt  }
.Lfunc_end2:
_tile_overlayer_lowered:
.L_overlay_start_2:
0x39: {  	(tag) =	ssettag $0x2  }
0x3a: {  	s0 =	rddreg [dreg:$0x0];
	s2 =	stileid.u32  }
0x3b: {  	s1 =	rddreg [dreg:$0x1];
	p0 =	sne.s32 s2, $0x0  }
0x3c: {  	s3 =	rddreg [dreg:$0x2];
	[bflag:$0x3] =	sbarrier.arrive $0xFFFF;
	s2 =	simm.s32 @!p0 $0x1C01  }
0x3d: {  	[timem:s3], [sflag:s2] =	dma.local @!p0 [hbm:s0], s1  }
0x3e: {  	s0 =	simm.s32 @!p0 $0x1  }
0x3f: {  	_ =	swait.ge @!p0 [sflag:s0], s1  }
0x40: {  	s1 =	ssub.s32 @!p0 $0x0, s1;
	[sflag:s0] =	ssyncset.done @!p0 $0x0  }
0x41: {  	[sflag:s0] =	ssyncadd.s32 @!p0 s1  }
0x42: {  	[bflag:$0x3] =	sbarrier.arrive $0xFFFF  }
0x43: {  	_ =	shalt  }

</sc_bundles>
